<compile_context>
chip_gen: v7x
topology: tpu7x:2x2x1
jax: 0.10.2.dev20260603
libtpu: 0.0.44.dev20260713+nightly
codegen_flags: <defaults>
</compile_context>

<pallas_src>
import functools
import jax
import jax.numpy as jnp
from jax.experimental import pallas as pl
from jax.experimental.pallas import tpu as pltpu

def _deg_body(n_eb, E, h_ref, dv_ref, de_ref):
    e = pl.program_id(0)
    h = h_ref[...].astype(jnp.float32)
    de_ref[...] = (1.0 / jnp.maximum(jnp.sum(h, axis=0), 1e-12)).reshape(de_ref.shape)
    rs = jnp.sum(h, axis=1, keepdims=True)

    @pl.when(e == 0)
    def _():
        dv_ref[...] = rs

    @pl.when(e != 0)
    def _():
        dv_ref[...] = dv_ref[...] + rs

    @pl.when(e == n_eb - 1)
    def _():
        dv_ref[...] = 1.0 / jnp.sqrt(jnp.maximum(dv_ref[...], 1e-12))


def kernel(x, H, W0, b0, W1, b1, W2, b2):
    N, d_in = x.shape
    E = H.shape[1]
    EB = 512
    n_eb = -(-E // EB)
    E_pad = n_eb * EB
    hb = jnp.pad(H.astype(jnp.bfloat16), ((0, 0), (0, E_pad - E)))
    dv, de = pl.pallas_call(
        functools.partial(_deg_body, n_eb, E),
        grid=(n_eb,),
        in_specs=[pl.BlockSpec((N, EB), lambda e: (0, e))],
        out_specs=[
            pl.BlockSpec((N, 1), lambda e: (0, 0)),
            pl.BlockSpec((1, 1, EB), lambda e: (e, 0, 0)),
        ],
        out_shape=[
            jax.ShapeDtypeStruct((N, 1), jnp.float32),
            jax.ShapeDtypeStruct((n_eb, 1, EB), jnp.float32),
        ],
    )(hb)
    return dv + de[0, 0, :1]

# --- scband reference (transcript-rebuilt; emitter-appended) ---
"""Pipeline reference for scband-mhgcn-27453430956155 (READ-ONLY COPY).

The authoritative reference and input builder live on the scoring server;
editing this copy changes nothing except your own understanding.
"""

import jax, jax.numpy as jnp
import numpy as np


def _hconv(x, H, W, b):
    # Standard weighted hypergraph conv (HGNN-style normalization):
    # out = Dv^{-1/2} H De^{-1} H^T Dv^{-1/2} x W + b
    Dv = jnp.sum(H, axis=1)
    De = jnp.sum(H, axis=0)
    dv = 1.0 / jnp.sqrt(jnp.maximum(Dv, 1e-12))
    de = 1.0 / jnp.maximum(De, 1e-12)
    t = x * dv[:, None]
    t = H.T @ t
    t = t * de[:, None]
    t = H @ t
    t = t * dv[:, None]
    return t @ W + b


def setup_inputs(seed: int = 0):
    key = jax.random.key(seed)
    ks = jax.random.split(key, 8)
    N, E, d_in, d_hid, d_out = 10000, 5000, 128, 128, 64
    x = jax.random.normal(ks[0], (N, d_in), dtype=jnp.float32)
    H = jax.random.uniform(ks[1], (N, E), dtype=jnp.float32)
    s_in = 1.0 / np.sqrt(d_in)
    s_hid = 1.0 / np.sqrt(d_hid)
    W0 = jax.random.normal(ks[2], (d_in, d_hid), dtype=jnp.float32) * s_in
    b0 = jnp.zeros((d_hid,), dtype=jnp.float32)
    W1 = jax.random.normal(ks[3], (d_hid, d_hid), dtype=jnp.float32) * s_hid
    b1 = jnp.zeros((d_hid,), dtype=jnp.float32)
    W2 = jax.random.normal(ks[4], (d_hid, d_out), dtype=jnp.float32) * s_hid
    b2 = jnp.zeros((d_out,), dtype=jnp.float32)
    return {"x": x, "H": H, "W0": W0, "b0": b0, "W1": W1, "b1": b1, "W2": W2, "b2": b2}


def reference(x, H, W0, b0, W1, b1, W2, b2):
    # Layer 0 (no residual): relu + dropout (identity in eval)
    h = jax.nn.relu(_hconv(x, H, W0, b0))
    # Layer 1 (middle layer, residual since i != 0 and i != last)
    res = h
    h = jax.nn.relu(_hconv(h, H, W1, b1)) + res
    # Layer 2 (final, no residual, no dropout)
    h = jax.nn.relu(_hconv(h, H, W2, b2))
    return h

if __name__ == "__main__":
    import jax
    _d = setup_inputs()
    print(jax.jit(kernel)(*tuple(_d.values())))

</pallas_src>

<mosaic_0001>
module attributes {stable_mosaic.version = 14 : i64} {
  func.func @_deg_body(%arg0: i32, %arg1: memref<10000x512xbf16, #tpu.memory_space<vmem>>, %arg2: memref<10000x1xf32, #tpu.memory_space<vmem>>, %arg3: memref<1x1x512xf32, #tpu.memory_space<vmem>>) attributes {dimension_semantics = [#tpu.dimension_semantics<arbitrary>], iteration_bounds = array<i64: 10>, scalar_prefetch = 0 : i64, scratch_operands = 0 : i64, tpu.core_type = #tpu.core_type<tc>, window_params = [{transform_indices = @transform_0, window_bounds = array<i64: 10000, 512>}, {pipeline_mode = #tpu.pipeline_mode<synchronous>, transform_indices = @transform_1, window_bounds = array<i64: 10000, 1>}, {transform_indices = @transform_2, window_bounds = array<i64: 1, 1, 512>}]} {
    %get3A = arith.constant 0 : index
    %get3A_0 = arith.constant 0 : index
    %get3A_1 = vector.load %arg1[%get3A, %get3A_0] : memref<10000x512xbf16, #tpu.memory_space<vmem>>, vector<10000x512xbf16>
    %convert_element_type3A = arith.extf %get3A_1 : vector<10000x512xbf16> to vector<10000x512xf32>
    %reduce_sum3A = arith.constant dense<0.000000e+00> : vector<512xf32>
    %reduce_sum3A_2 = vector.multi_reduction <add>, %convert_element_type3A, %reduce_sum3A [0] : vector<10000x512xf32> to vector<512xf32>
    %max3A = arith.constant 9.99999996E-13 : f32
    %max3A_3 = vector.broadcast %max3A : f32 to vector<512xf32>
    %max3A_4 = arith.maximumf %reduce_sum3A_2, %max3A_3 : vector<512xf32>
    %div3A = arith.constant 1.000000e+00 : f32
    %div3A_5 = vector.broadcast %div3A : f32 to vector<512xf32>
    %div3A_6 = arith.divf %div3A_5, %max3A_4 : vector<512xf32>
    %reshape3A = vector.shape_cast %div3A_6 : vector<512xf32> to vector<1x1x512xf32>
    %swap3A = arith.constant 0 : index
    %swap3A_7 = arith.constant 0 : index
    %swap3A_8 = arith.constant 0 : index
    %swap3A_9 = vector.load %arg3[%swap3A, %swap3A_7, %swap3A_8] : memref<1x1x512xf32, #tpu.memory_space<vmem>>, vector<1x1x512xf32>
    tpu.vector_store %arg3[%swap3A, %swap3A_7, %swap3A_8], %reshape3A {strides = array<i32>} : memref<1x1x512xf32, #tpu.memory_space<vmem>>, vector<1x1x512xf32>,
    %reduce_sum3A_10 = arith.constant dense<0.000000e+00> : vector<10000xf32>
    %reduce_sum3A_11 = vector.multi_reduction <add>, %convert_element_type3A, %reduce_sum3A_10 [1] : vector<10000x512xf32> to vector<10000xf32>
    %broadcast_in_dim3A = vector.shape_cast %reduce_sum3A_11 : vector<10000xf32> to vector<10000x1xf32>
    %eq3A = arith.constant 0 : i32
    %eq3A_12 = arith.cmpi eq, %arg0, %eq3A : i32
    %convert_element_type3A_13 = arith.extui %eq3A_12 : i1 to i32
    %cond3A = arith.constant 0 : i32
    %cond3A_14 = arith.cmpi ne, %convert_element_type3A_13, %cond3A : i32
    scf.if %cond3A_14 {
      %swap3A_24 = arith.constant 0 : index
      %swap3A_25 = arith.constant 0 : index
      %swap3A_26 = vector.load %arg2[%swap3A_24, %swap3A_25] : memref<10000x1xf32, #tpu.memory_space<vmem>>, vector<10000x1xf32>
      tpu.vector_store %arg2[%swap3A_24, %swap3A_25], %broadcast_in_dim3A {strides = array<i32>} : memref<10000x1xf32, #tpu.memory_space<vmem>>, vector<10000x1xf32>,
    } else {
    }
    %ne3A = arith.constant 0 : i32
    %ne3A_15 = arith.cmpi ne, %arg0, %ne3A : i32
    %convert_element_type3A_16 = arith.extui %ne3A_15 : i1 to i32
    %cond3A_17 = arith.constant 0 : i32
    %cond3A_18 = arith.cmpi ne, %convert_element_type3A_16, %cond3A_17 : i32
    scf.if %cond3A_18 {
      %get3A_24 = arith.constant 0 : index
      %get3A_25 = arith.constant 0 : index
      %get3A_26 = vector.load %arg2[%get3A_24, %get3A_25] : memref<10000x1xf32, #tpu.memory_space<vmem>>, vector<10000x1xf32>
      %add3A = arith.addf %get3A_26, %broadcast_in_dim3A : vector<10000x1xf32>
      %swap3A_27 = arith.constant 0 : index
      %swap3A_28 = arith.constant 0 : index
      %swap3A_29 = vector.load %arg2[%swap3A_27, %swap3A_28] : memref<10000x1xf32, #tpu.memory_space<vmem>>, vector<10000x1xf32>
      tpu.vector_store %arg2[%swap3A_27, %swap3A_28], %add3A {strides = array<i32>} : memref<10000x1xf32, #tpu.memory_space<vmem>>, vector<10000x1xf32>,
    } else {
    }
    %eq3A_19 = arith.constant 9 : i32
    %eq3A_20 = arith.cmpi eq, %arg0, %eq3A_19 : i32
    %convert_element_type3A_21 = arith.extui %eq3A_20 : i1 to i32
    %cond3A_22 = arith.constant 0 : i32
    %cond3A_23 = arith.cmpi ne, %convert_element_type3A_21, %cond3A_22 : i32
    scf.if %cond3A_23 {
      %get3A_24 = arith.constant 0 : index
      %get3A_25 = arith.constant 0 : index
      %get3A_26 = vector.load %arg2[%get3A_24, %get3A_25] : memref<10000x1xf32, #tpu.memory_space<vmem>>, vector<10000x1xf32>
      %max3A_27 = arith.constant 9.99999996E-13 : f32
      %max3A_28 = vector.broadcast %max3A_27 : f32 to vector<10000x1xf32>
      %max3A_29 = arith.maximumf %get3A_26, %max3A_28 : vector<10000x1xf32>
      %sqrt3A = math.sqrt %max3A_29 : vector<10000x1xf32>
      %div3A_30 = arith.constant 1.000000e+00 : f32
      %div3A_31 = vector.broadcast %div3A_30 : f32 to vector<10000x1xf32>
      %div3A_32 = arith.divf %div3A_31, %sqrt3A : vector<10000x1xf32>
      %swap3A_33 = arith.constant 0 : index
      %swap3A_34 = arith.constant 0 : index
      %swap3A_35 = vector.load %arg2[%swap3A_33, %swap3A_34] : memref<10000x1xf32, #tpu.memory_space<vmem>>, vector<10000x1xf32>
      tpu.vector_store %arg2[%swap3A_33, %swap3A_34], %div3A_32 {strides = array<i32>} : memref<10000x1xf32, #tpu.memory_space<vmem>>, vector<10000x1xf32>,
    } else {
    }
    return
  }
  func.func @transform_0(%arg0: i32) -> (i32, i32) {
    %c0_i32 = arith.constant 0 : i32
    %c0_i32_0 = arith.constant 0 : i32
    return %c0_i32, %arg0 : i32, i32
  }
  func.func @transform_1(%arg0: i32) -> (i32, i32) {
    %c0_i32 = arith.constant 0 : i32
    %c0_i32_0 = arith.constant 0 : i32
    %c0_i32_1 = arith.constant 0 : i32
    return %c0_i32, %c0_i32_0 : i32, i32
  }
  func.func @transform_2(%arg0: i32) -> (i32, i32, i32) {
    %c0_i32 = arith.constant 0 : i32
    %c0_i32_0 = arith.constant 0 : i32
    %c0_i32_1 = arith.constant 0 : i32
    return %arg0, %c0_i32, %c0_i32_0 : i32, i32, i32
  }
}

</mosaic_0001>

<sc_bundles>
// kernel: sparse-core-data-format-call.cloned.1.call-start
scs
called_computation_lowered:
.L_overlay_start_0:
0x0: {  	s1 =	sld [smem:$0x3FD9]  }
0x1: {  	s2 =	sld [smem:$0x3FFE];
	_ =	sdelay $0x1  }
0x2: {  	s3 =	srdreg.scid  }
0x3: {  	s0 =	sand.u32 $0x1, s3  }
0x4: {  	s17 =	sshll.u32 s0, $0xA;
	s1 =	sadd.s32 s2, s1  }
0x5: {  	s1 =	sadd.s32 s1, s17  }
0x6: {  	[smem:$0x3FC7] =	sst s1  }
0x7: {  	_ = 	snop  }
0x8: {  	(tm) =	ssettm $0x1  }
0x9: {  	s18 =	sld [smem:$0x3FFB];
	_ =	sdelay $0x3  }
0xa: {  	_ =	strace s18  }
0xb: {  	s1 =	sld [smem:$0x3FFC];
	_ =	sdelay $0x3  }
0xc: {  	_ =	strace s1  }
0xd: {  	s1 =	sld [smem:$0x3FFD];
	_ =	sdelay $0x3  }
0xe: {  	_ =	strace s1  }
0xf: {  	_ =	strace $0x8FFFFFFF  }
0x10: {  	s19 =	sld [smem:$0x3FDB];
	_ =	sdelay $0x1  }
0x11: {  	s20 =	simm.s32 $_scs_section_size  }
0x12: {  	s4 =	simm.s32 $_size__tile_overlayer_lowered;
	s5 =	simm.s32 $_tile_overlayer_lowered  }
0x13: {  	s23 =	simm.s32 $0x1BFF;
	s22 =	sshll.u32 s5, $0x1;
	s1 =	sadd.s32 s20, s19  }
0x14: {  	s6 =	simm.s32 $0x0;
	s21 =	sshll.u32 s4, $0x1;
	s4 =	sadd.s32 s22, s1  }
0x15: {  	[timem:s6], [sflag:s23] =	dma.local [hbm:s4], s21  }
0x16: {  	_ =	swait.ge [sflag:s23], s21  }
0x17: {  	s2 =	ssub.s32 $0x0, s21;
	[sflag:s23] =	ssyncset.done $0x0  }
0x18: {  	[sflag:s23] =	ssyncadd.s32 s2;
	_ =	sdelay $0x1  }
0x19: {  	s24 =	simm.s32 $0x1B8B  }
0x1a: {  	_ =	swait.ge [sflag:s24], $0x1  }
0x1b: {  	[sflag:s24] =	ssyncset.done $0x0  }
0x1c: {  	s26 =	simm.s32 $0x1B8E;
	s25 =	sld [smem:$0x3FFE];
	[sflag:s24] =	ssyncadd.s32 $0xFFFFFFFF  }
0x1d: {  	s27 =	simm.s32 $execute0_lowered;
	[smem:$0x3FD2] =	sst s26  }
0x1e: {  	s4 =	sshll.u32 s27, $0x1;
	_ =	strace $0x80000046;
	[dreg:$0x1] =	wrdreg $0xFFFFFFFF  }
0x1f: {  	s28 =	simm.s32 $_size_execute0_lowered;
	s1 =	sadd.s32 s1, s4;
	[dreg:$0x0] =	wrdreg $0x0  }
0x20: {  	s4 =	sshll.u32 s28, $0x1;
	[dreg:$0x2] =	wrdreg s1  }
0x21: {  	[dreg:$0x3] =	wrdreg s4  }
0x22: {  	[dreg:$0x4] =	wrdreg $0xC0  }
0x23: {  	_ =	task [dreg:s6], $0x5FFFF  }
0x24: {  	[dreg:$0x1] =	wrdreg $0xFFFFFFFF  }
0x25: {  	[dreg:$0x0] =	wrdreg $0x60  }
0x26: {  	[dreg:$0x2] =	wrdreg s25  }
0x27: {  	[dreg:$0x3] =	wrdreg $0x9  }
0x28: {  	_ =	task.clear_ibuf [dreg:s6], $0x4FFFF;
	_ =	strace $0x90000046  }
0x29: {  	s29 =	simm.s32 $0x9;
	_ =	strace $0x80000048  }
0x2a: {  	_ =	swait.ge [sflag:s29], $0x1  }
0x2b: {  	[sflag:s29] =	ssyncadd.s32 $0xFFFFFFFF  }
0x2c: {  	_ =	strace $0x90000048  }
0x2d: {  	_ =	sfence  }
0x2e: {  	s30 =	sld [smem:$0x0];
	_ =	sdelay $0x2  }
0x2f: {  	s31 =	sshll.u32 s3, $0xD;
	s3 =	sshrl.u32 s3, $0x2  }
0x30: {  	s2 =	sand.u32 $0x4000, s31;
	s1 =	sadd.s32 s3, s30  }
0x31: {  	s0 =	sor.u32 s2, s0;
	s1 =	sshll.u32 s1, $0x11  }
0x32: {  	s0 =	sor.u32 s1, s0  }
0x33: {  	s0 =	sadd.s32 $0x8F2B, s0  }
0x34: {  	[sflag:s0] =	ssyncadd.remote.s32 $0x1  }
0x35: {  	_ =	sfence.sel $0xFFFF  }
0x36: {  	[dreg:$0x0] =	wrdreg $0xFFFFFFFF;
	(pc) =	sbr.abs _section_cstart, $3  }
0x37: {  	[dreg:$0x1] =	wrdreg $0xFFFFFFFF  }
0x38: {  	_ =	task.clear_ibuf [dreg:s6], $0x2FFFF;
	_ =	strace $0x9FFFFFFF  }
0x39: {  	(tm) =	ssettm $0x7FFFFFFF  }
tec
execute0_lowered:
.L_overlay_start_1:
0x0: {  	(tag) =	ssettag $0x1  }
0x1: {  	s0 =	srdreg.scid;
	s1 =	stileid.u32  }
0x2: {  	s30 =	rddreg [dreg:$0x0];
	_ =	strace $0x80000047;
	s0 =	sshll.u32 s0, $0x4  }
0x3: {  	s3 =	simm.s32 $0x1;
	s31 =	simm.s32 $0x2;
	s0 =	sand.u32 $0x10, s0  }
0x4: {  	s15 =	simm.s32 $0x0;
	s14 =	simm.s32 $0x0;
	s0 =	sor.u32 s1, s0  }
0x5: {  	s9 =	simm.s32 $0x0;
	s11 =	simm.s32 $0x0;
	s2 =	sshll.u32 s0, $0x7  }
.Ltmp0:
0x6: {  	s12 =	simm.s32 $0x0;
	s0 =	ssub.s32 $0x2700, s2;
	(pc) =	sbr.rel .LBB1_1-.Ltmp0, $4  }
0x7: {  	[sflag:s3] =	ssyncpa.u1 $0x0;
	s4 =	sadd.s32 $0x600, s30;
	s0 =	sshrl.u32 s0, $0xC  }
0x8: {  	[dreg:$0x2] =	wrdreg s4;
	s1 =	sadd.s32 $0x303E00, s30;
	s0 =	smul.u32 $0x28, s0  }
0x9: {  	s13 =	simm.s32 $0x0;
	[sflag:s31] =	ssyncpa.u1 $0x0;
	[dreg:$0x3] =	wrdreg s1  }
0xa: {  	s10 =	smov.u32 s2;
	s6 =	sadd.s32 $0x28, s0;
	s7 =	sadd.s32 $0x29, s0  }
.LBB1_12:
0xb: {  	s0 =	sshrl.u32 s9, $0x3;
	s1 =	sand.u32 $0x1, s9;
	s3 =	sshll.u32 s11, $0x1  }
0xc: {  	s4 =	sshll.u32 s11, $0x3;
	s5 =	sshll.u32 s9, $0x7;
	p0 =	sgt.s32 s9, $0x2690  }
0xd: {  	s29 =	rddreg [dreg:$0x3];
	s30 =	sor.u32 $0x4000, s17;
	s0 =	smul.u32 $0xA000, s0  }
0xe: {  	s3 =	sand.u32 $0xFE, s3;
	s4 =	sand.u32 $0xFFFFFC00, s4;
	s5 =	sand.u32 $0x300, s5  }
0xf: {  	s1 =	sor.u32 s1, s3;
	s3 =	smov.u32 s9;
	s0 =	sadd.s32 s4, s0  }
0x10: {  	s1 =	sor.u32 s5, s1;
	s3 =	simm.s32 @!p0 $0x2690;
	p0 =	sgt.s32 s11, $0x1380  }
0x11: {  	s5 =	smov.u32 s11;
	s1 =	sor.u32 s0, s1;
	s0 =	smulhi.u32 $0xCCCCCCCD, s0  }
0x12: {  	s3 =	sadd.s32 s18, s3;
	s5 =	simm.s32 @!p0 $0x1380;
	s26 =	smulhi.u32 $0xCCCCCCCD, s1  }
0x13: {  	s5 =	sadd.s32 s16, s5;
	s8 =	sadd.s32 $0xFFFFD970, s3;
	s0 =	sshrl.u32 s0, $0xC  }
0x14: {  	s3 =	ssub.s32 $0x2710, s3;
	s4 =	sshrl.u32 s26, $0xC;
	s28 =	smulhi.u32 $0x68DB9, s0  }
0x15: {  	p0 =	sgt.s32 s8, $0x7F;
	s27 =	sadd.s32 $0xFFFFEC80, s5;
	s4 =	smul.u32 $0x1400, s4  }
0x16: {  	s5 =	ssub.s32 $0x1400, s5;
	p1 =	sgt.s32 s27, $0x7F;
	s8 =	smul.u32 $0x2710, s28  }
0x17: {  	s31 =	simm.s32 $0x5000;
	s3 =	simm.s32 @p0 $0x0;
	s5 =	simm.s32 @p1 $0x0  }
0x18: {  	s3 =	smul.u32 s5, s3;
	s1 =	ssub.s32 s1, s4;
	s0 =	ssub.s32 s0, s8  }
0x19: {  	s4 =	sshrl.u32 s1, $0x4;
	s1 =	sshll.u32 s1, $0x11;
	s0 =	smul.u32 $0x140, s0  }
0x1a: {  	s3 =	sshrl.u32 s3, $0x1;
	s4 =	sadd.s32 s29, s4;
	s1 =	sand.u32 $0x1C0000, s1  }
0x1b: {  	s3 =	sand.u32 $0x3FFFFFFF, s3;
	s1 =	sor.u32 $0x200, s1;
	s0 =	sadd.s32 s0, s4  }
0x1c: {  	[hbm4b:s0+s1] =	stream.strided.scatter [tilespmem:s30], [sflag:$0x2], s3, s31, s1, $0x20;
	[tilespmem:$0x8080] =	vst v63  }
.LBB1_13:
0x1d: {  	p0 =	slt.u32 s13, $0x2  }
0x1e: {  	s1 =	smov.u32 s15;
	s3 =	smov.u32 s14;
	p1 =	sgt.s32 @!p0 s15, $0x2690  }
0x1f: {  	s0 =	sshra.s32 @!p0 s15, $0x1F;
	p2 =	sgt.s32 @!p0 s14, $0x1380;
	s4 =	sshra.s32 @!p0 s14, $0x1F  }
0x20: {  	p1 =	por !p1, p0;
	s0 =	sand.u32 @!p0 s0, s15;
	p2 =	por !p2, p0  }
0x21: {  	s4 =	sand.u32 @!p0 s4, s14;
	s1 =	simm.s32 @p1 $0x2690;
	s3 =	simm.s32 @p2 $0x1380  }
0x22: {  	s0 =	ssub.s32 @!p0 s1, s0;
	s1 =	ssub.s32 @!p0 s3, s4  }
0x23: {  	s3 =	sadd.s32 @!p0 $0xFFFFD970, s0;
	s4 =	sadd.s32 @!p0 $0xFFFFEC80, s1  }
0x24: {  	s0 =	ssub.s32 @!p0 $0x2710, s0;
	p1 =	sgt.s32 @!p0 s3, $0x7F;
	p2 =	sgt.s32 @!p0 s4, $0x7F  }
0x25: {  	s1 =	ssub.s32 @!p0 $0x1400, s1;
	p1 =	por !p1, p0;
	p2 =	por !p2, p0  }
0x26: {  	s0 =	simm.s32 @!p1 $0x0;
	s1 =	simm.s32 @!p2 $0x0  }
0x27: {  	s0 =	smul.u32 @!p0 s1, s0;
	s1 =	sadd.s32 $0x1000, s10  }
0x28: {  	s5 =	smov.u32 s12;
	s4 =	sadd.s32 $0x80, s12;
	p1 =	sgt.s32 s1, $0x270F  }
0x29: {  	s5 =	smov.u32 @p1 s4  }
0x2a: {  	s1 =	smov.u32 @p1 s2;
	p1 =	sgt.s32 s5, $0x1387  }
0x2b: {  	s5 =	simm.s32 @p1 $0x0;
	p1 =	sne.s32 s13, s7  }
.Ltmp1:
0x2c: {  	s15 =	smov.u32 s9;
	s0 =	sshrl.u32 @!p0 s0, $0x1;
	(pc) =	sbr.rel @!p1 .LBB1_14-.Ltmp1, $4  }
0x2d: {  	s14 =	smov.u32 s11;
	s3 =	simm.s32 @!p0 $0x2;
	s0 =	sand.u32 @!p0 $0x3FFFFFFF, s0  }
0x2e: {  	s9 =	smov.u32 s10;
	s11 =	smov.u32 s12;
	_ =	swait.ge @!p0 [sflag:s3], s0  }
0x2f: {  	s10 =	smov.u32 s1;
	s0 =	ssub.s32 @!p0 $0x0, s0;
	[sflag:s3] =	ssyncset.done @!p0 $0x0  }
0x30: {  	s13 =	sadd.s32 $0x1, s13;
	s12 =	smov.u32 s5;
	[sflag:s3] =	ssyncadd.s32 @!p0 s0  }
.LBB1_1:
0x31: {  	p0 =	sge.u32 s13, s6  }
0x32: {  	s8 =	smov.u32 s10;
	s0 =	sshrl.u32 @!p0 s12, $0x3  }
0x33: {  	s1 =	sshll.u32 @!p0 s10, $0x3;
	s3 =	sshll.u32 @!p0 s12, $0x7;
	s0 =	smul.u32 @!p0 $0x13C00, s0  }
0x34: {  	p1 =	sgt.s32 @!p0 s12, $0x1308;
	s4 =	sshra.s32 @!p0 s12, $0x1F;
	s1 =	sand.u32 @!p0 $0xFFFFFC00, s1  }
0x35: {  	s0 =	sadd.s32 @!p0 s0, s1;
	s1 =	sand.u32 @!p0 $0x300, s3;
	s3 =	sshll.u32 @!p0 s10, $0x1  }
0x36: {  	s16 =	sshra.s32 @!p0 s10, $0x1F;
	s0 =	sor.u32 @!p0 s1, s0;
	s1 =	sand.u32 @!p0 $0xFE, s3  }
0x37: {  	p1 =	por !p1, p0;
	s3 =	sand.u32 @!p0 $0x1, s12;
	s0 =	sor.u32 @!p0 s1, s0  }
0x38: {  	s4 =	sand.u32 @!p0 s4, s12;
	s1 =	sor.u32 @!p0 s3, s0;
	s3 =	smov.u32 s12  }
0x39: {  	s5 =	smulhi.u32 @!p0 $0xCF6474A9, s1;
	s3 =	simm.s32 @p1 $0x1308;
	p1 =	sgt.s32 @!p0 s10, $0x2700  }
0x3a: {  	s0 =	smulhi.u32 @!p0 $0xCF6474A9, s0;
	s3 =	ssub.s32 @!p0 s3, s4;
	p1 =	por !p1, p0  }
0x3b: {  	s4 =	sadd.s32 @!p0 $0xFFFFECF8, s3;
	s8 =	simm.s32 @p1 $0x2700;
	s5 =	sshrl.u32 @!p0 s5, $0xD  }
0x3c: {  	s3 =	ssub.s32 @!p0 $0x1388, s3;
	p2 =	sgt.s32 @!p0 s4, $0x7F;
	s4 =	sand.u32 @!p0 s16, s10  }
0x3d: {  	s5 =	smul.u32 @!p0 $0x2780, s5;
	s4 =	ssub.s32 @!p0 s8, s4;
	p1 =	por !p2, p0  }
0x3e: {  	s0 =	sshrl.u32 @!p0 s0, $0xD;
	s8 =	sadd.s32 @!p0 $0xFFFFD900, s4;
	s3 =	simm.s32 @!p1 $0x0  }
0x3f: {  	s1 =	ssub.s32 @!p0 s1, s5;
	p1 =	sgt.s32 @!p0 s8, $0x7F;
	s8 =	smulhi.u32 @!p0 $0xD1B72, s0  }
0x40: {  	s4 =	ssub.s32 @!p0 $0x2780, s4;
	s5 =	sshrl.u32 @!p0 s1, $0x4;
	s1 =	sshll.u32 @!p0 s1, $0x11  }
0x41: {  	p1 =	por !p1, p0;
	s1 =	sand.u32 @!p0 $0x1C0000, s1;
	s8 =	smul.u32 @!p0 $0x1388, s8  }
0x42: {  	s4 =	simm.s32 @!p1 $0x0;
	s1 =	sor.u32 @!p0 $0x200, s1  }
0x43: {  	s3 =	smul.u32 @!p0 s3, s4;
	s4 =	sxor.u32 @!p0 $0xFFFFFFFF, s13;
	s0 =	ssub.s32 @!p0 s0, s8  }
0x44: {  	s8 =	rddreg [dreg:$0x2];
	s4 =	sshll.u32 @!p0 s4, $0xD;
	s0 =	smul.u32 @!p0 $0x278, s0  }
0x45: {  	s3 =	sshrl.u32 @!p0 s3, $0x1;
	s5 =	sadd.s32 @!p0 s8, s5;
	s4 =	sand.u32 @!p0 $0x2000, s4  }
0x46: {  	s3 =	sand.u32 @!p0 $0x3FFFFFFF, s3;
	s0 =	sadd.s32 @!p0 s0, s5;
	s5 =	simm.s32 @!p0 $0x9E00  }
0x47: {  	[tilespmem:s4], [sflag:$0x1] =	stream.strided.gather @!p0 [hbm4b:s0+s1], s3, s5, s1, $0x38;
	[tilespmem:$0x8080] =	vst v63  }
0x48: {  	p0 =	seq.s32 s13, $0x0  }
0x49: {  	p1 =	sge.u32 @!p0 s13, s7  }
0x4a: {  	p0 =	por p0, p1  }
.Ltmp2:
0x4b: {  	_ = 	snop;
	(pc) =	sbr.rel @p0 .LBB1_13-.Ltmp2, $1  }
0x4c: {  	_ =	sdelay $0x3  }
0x4d: {  	s0 =	ssub.s32 $0x0, s11;
	s1 =	sshra.s32 s11, $0x1F  }
0x4e: {  	p0 =	sgt.s32 s11, $0x1308;
	s3 =	smov.u32 s11;
	s26 =	ssub.s32 $0x0, s9  }
0x4f: {  	s27 =	sshra.s32 s9, $0x1F;
	s16 =	sand.u32 s0, s1;
	s3 =	simm.s32 @!p0 $0x1308  }
0x50: {  	s4 =	smov.u32 s9;
	p0 =	sgt.s32 s9, $0x2700;
	s3 =	sadd.s32 s16, s3  }
0x51: {  	s18 =	sand.u32 s26, s27;
	s4 =	simm.s32 @!p0 $0x2700;
	s28 =	sadd.s32 $0xFFFFECF8, s3  }
0x52: {  	s1 =	sadd.s32 s18, s4;
	s3 =	ssub.s32 $0x1388, s3;
	p0 =	sgt.s32 s28, $0x7F  }
0x53: {  	s29 =	sadd.s32 $0xFFFFD900, s1;
	s0 =	ssub.s32 $0x2780, s1;
	s1 =	sadd.s32 $0x80, s11  }
0x54: {  	p1 =	sgt.s32 s29, $0x7F;
	s3 =	simm.s32 @p0 $0x0;
	p0 =	slt.s32 s1, $0x1388  }
0x55: {  	s0 =	simm.s32 @p1 $0x0;
	s1 =	simm.s32 @!p0 $0x1388  }
0x56: {  	s0 =	smul.u32 s3, s0;
	s19 =	ssub.s32 s1, s11  }
0x57: {  	p0 =	slt.s32 s19, $0x1  }
.Ltmp3:
0x58: {  	s3 =	sshrl.u32 s0, $0x1;
	(pc) =	sbr.rel @p0 .LBB1_12-.Ltmp3, $4  }
0x59: {  	s5 =	simm.s32 $0x1;
	s0 =	sand.u32 $0x1, s13;
	s3 =	sand.u32 $0x3FFFFFFF, s3  }
0x5a: {  	s30 =	smul.u32 $0x4080, s0;
	_ =	swait.ge [sflag:s5], s3  }
0x5b: {  	s31 =	ssub.s32 $0x0, s3;
	[sflag:s5] =	ssyncset.done $0x0  }
0x5c: {  	s17 =	sshrl.u32 s30, $0x1;
	[sflag:s5] =	ssyncadd.s32 s31  }
0x5d: {  	s1 =	sadd.s32 $0x80, s9  }
0x5e: {  	p0 =	slt.s32 s1, $0x2710  }
.Ltmp4:
0x5f: {  	s1 =	simm.s32 @!p0 $0x2710;
	(pc) =	sbr.rel .LBB1_4-.Ltmp4, $4  }
0x60: {  	s1 =	ssub.s32 s1, s9  }
0x61: {  	s22 =	sshll.u32 s0, $0xD;
	s3 =	sadd.s32 $0xF, s1;
	s1 =	sadd.s32 $0x1F, s1  }
0x62: {  	s23 =	sor.u32 $0x4000, s17;
	s20 =	sand.u32 $0xFFFFFFF0, s3;
	s21 =	sand.u32 $0xFFFFFF00, s1  }
0x63: {  	s24 =	simm.s32 $0x0;
	p0 =	slt.s32 s1, $0x100;
	p1 =	sge.s32 s21, s20  }
.LBB1_11:
0x64: {  	s24 =	sadd.s32 $0x2, s24  }
0x65: {  	p2 =	slt.s32 s24, s19  }
.Ltmp5:
0x66: {  	_ = 	snop;
	(pc) =	sbr.rel @!p2 .LBB1_12-.Ltmp5, $1  }
0x67: {  	_ =	sdelay $0x3  }
.LBB1_4:
.Ltmp6:
0x68: {  	(pc) =	sbr.rel @p0 .LBB1_8-.Ltmp6, $2  }
0x69: {  	_ =	sdelay $0x2  }
0x6a: {  	s26 =	sand.u32 $0x7E, s24;
	s25 =	sshll.u32 s24, $0x6  }
0x6b: {  	s3 =	sand.u32 $0x1F80, s25  }
0x6c: {  	s8 =	sadd.s32 s3, s22  }
0x6d: {  	v0 =	vld [tilespmem:s8+$0x60]  }
0x6e: {  	v1 =	vld [tilespmem:s8+$0x70]  }
0x6f: {  	s4 =	sshll.u32 s26, $0x6;
	v2 =	vld [tilespmem:s8+$0x40]  }
0x70: {  	s5 =	sadd.s32 s4, s22;
	v3 =	vld [tilespmem:s8+$0x50]  }
0x71: {  	v4 =	vld [tilespmem:s5+$0x30]  }
0x72: {  	v5 =	vld [tilespmem:s8+$0x20]  }
0x73: {  	v6 =	vld [tilespmem:s8+$0x30]  }
0x74: {  	s0 =	sand.u32 $0x3E, s24;
	v7 =	vld [tilespmem:s5+$0x10];
	v1 =	vperm.xlane.i2c.b16 v1;
	v8 =	vperm.xlane.i2c.b16 v0  }
0x75: {  	s1 =	sand.u32 $0x40, s24;
	s0 =	sadd.s32 s0, s23;
	v9 =	vld [tilespmem:s8+$0x0];
	v10 =	vperm.xlane.i2c.b16 v3;
	v2 =	vperm.xlane.i2c.b16 v2  }
0x76: {  	s27 =	sadd.s32 s1, s0;
	v11 =	vld [tilespmem:s8+$0x10];
	v0 =	vcombine.low v8, v1  }
0x77: {  	p2 =	sgt.s32 s21, $0x100;
	s1 =	sadd.s32 $0x1830, s27;
	v3 =	vperm.xlane.i2c.b16 v5;
	v12 =	vcombine.low v2, v10  }
.Ltmp7:
0x78: {  	s3 =	sadd.s32 $0x1020, s27;
	v13 =	vperm.xlane.i2c.b16 v6;
	v4 =	vperm.xlane.i2c.b16 v4;
	[tilespmem:s1+$0x0 ss:$0x81] =	vst.msk $0xffff, v0;
	(pc) =	sbr.rel @!p2 .LBB1_7-.Ltmp7, $4  }
0x79: {  	v6 =	vperm.xlane.i2c.b16 v7;
	v1 =	vcombine.high v8, v1;
	[tilespmem:s3+$0x0 ss:$0x81] =	vst.msk $0xffff, v12  }
0x7a: {  	s0 =	sadd.s32 $0x1831, s27;
	v7 =	vperm.xlane.i2c.b16 v9;
	v2 =	vcombine.high v2, v10;
	[tilespmem:s3+$0x0 ss:$0x81] =	vst.msk $0xffff, v12  }
0x7b: {  	s4 =	simm.s32 $0x100;
	s31 =	sadd.s32 $0x1021, s27;
	v9 =	vperm.xlane.i2c.b16 v11;
	v8 =	vcombine.low v3, v13;
	[tilespmem:s0+$0x0 ss:$0x81] =	vst.msk $0xffff, v1  }
0x7c: {  	s28 =	sadd.s32 $0x1, s27;
	s29 =	sadd.s32 $0x810, s27;
	s30 =	sadd.s32 $0x811, s27;
	v5 =	vcombine.low v3, v4;
	v10 =	vcombine.high v3, v13;
	[tilespmem:s31+$0x0 ss:$0x81] =	vst.msk $0xffff, v2  }
.LBB1_6:
0x7d: {  	v11 =	vld [tilespmem:s8+$0x60];
	v12 =	vcombine.low v7, v6;
	v13 =	vcombine.low v7, v9;
	[tilespmem:s29+$0x0 ss:$0x81] =	vst.msk $0xffff, v8  }
0x7e: {  	v6 =	vcombine.high v7, v6;
	v7 =	vcombine.high v7, v9;
	v8 =	vld [tilespmem:s8+$0x70];
	[tilespmem:s30+$0x0 ss:$0x81] =	vst.msk $0xffff, v10  }
0x7f: {  	v3 =	vcombine.high v3, v4;
	v9 =	vld [tilespmem:s8+$0x40];
	[tilespmem:s27+$0x0 ss:$0x81] =	vst.msk $0xffff, v13  }
0x80: {  	v4 =	vld [tilespmem:s8+$0x50];
	[tilespmem:s28+$0x0 ss:$0x81] =	vst.msk $0xffff, v7  }
0x81: {  	v7 =	vld [tilespmem:s5+$0x30];
	[tilespmem:s27+$0x0 ss:$0x81] =	vst.msk $0xffff, v12  }
0x82: {  	v10 =	vld [tilespmem:s8+$0x20];
	[tilespmem:s28+$0x0 ss:$0x81] =	vst.msk $0xffff, v6  }
0x83: {  	v6 =	vld [tilespmem:s8+$0x30];
	[tilespmem:s29+$0x0 ss:$0x81] =	vst.msk $0xffff, v5  }
0x84: {  	v11 =	vperm.xlane.i2c.b16 v11;
	v8 =	vperm.xlane.i2c.b16 v8;
	v5 =	vld [tilespmem:s5+$0x10];
	[tilespmem:s30+$0x0 ss:$0x81] =	vst.msk $0xffff, v3  }
0x85: {  	v9 =	vperm.xlane.i2c.b16 v9;
	v12 =	vld [tilespmem:s8+$0x0];
	v13 =	vperm.xlane.i2c.b16 v4;
	[tilespmem:s31+$0x0 ss:$0x81] =	vst.msk $0xffff, v2  }
0x86: {  	s4 =	sadd.s32 $0x100, s4;
	v14 =	vld [tilespmem:s8+$0x10];
	[tilespmem:s1+$0x0 ss:$0x81] =	vst.msk $0xffff, v0;
	v0 =	vcombine.low v11, v8  }
0x87: {  	p2 =	slt.s32 s4, s21;
	v15 =	vcombine.low v9, v13;
	[tilespmem:s0+$0x0 ss:$0x81] =	vst.msk $0xffff, v1;
	v1 =	vcombine.high v11, v8  }
.Ltmp8:
0x88: {  	v3 =	vperm.xlane.i2c.b16 v10;
	v10 =	vperm.xlane.i2c.b16 v6;
	[tilespmem:s1+$0x0 ss:$0x81] =	vst.msk $0xffff, v0;
	(pc) =	sbr.rel @p2 .LBB1_6-.Ltmp8, $4  }
0x89: {  	v4 =	vperm.xlane.i2c.b16 v7;
	v2 =	vcombine.high v9, v13;
	[tilespmem:s3+$0x0 ss:$0x81] =	vst.msk $0xffff, v15  }
0x8a: {  	v6 =	vperm.xlane.i2c.b16 v5;
	v8 =	vcombine.low v3, v10;
	[tilespmem:s0+$0x0 ss:$0x81] =	vst.msk $0xffff, v1  }
0x8b: {  	v7 =	vperm.xlane.i2c.b16 v12;
	v9 =	vperm.xlane.i2c.b16 v14;
	[tilespmem:s3+$0x0 ss:$0x81] =	vst.msk $0xffff, v15  }
0x8c: {  	v5 =	vcombine.low v3, v4;
	v10 =	vcombine.high v3, v10;
	[tilespmem:s31+$0x0 ss:$0x81] =	vst.msk $0xffff, v2  }
.LBB1_7:
0x8d: {  	[tilespmem:s29+$0x0 ss:$0x81] =	vst.msk $0xffff, v8  }
0x8e: {  	[tilespmem:s31+$0x0 ss:$0x81] =	vst.msk $0xffff, v2  }
0x8f: {  	[tilespmem:s1+$0x0 ss:$0x81] =	vst.msk $0xffff, v0  }
0x90: {  	[tilespmem:s30+$0x0 ss:$0x81] =	vst.msk $0xffff, v10  }
0x91: {  	v11 =	vcombine.low v7, v9;
	[tilespmem:s29+$0x0 ss:$0x81] =	vst.msk $0xffff, v5  }
0x92: {  	v62 =	vcombine.low v7, v6;
	[tilespmem:s0+$0x0 ss:$0x81] =	vst.msk $0xffff, v1  }
0x93: {  	v3 =	vcombine.high v3, v4;
	[tilespmem:s27+$0x0 ss:$0x81] =	vst.msk $0xffff, v11  }
0x94: {  	v61 =	vcombine.high v7, v9;
	[tilespmem:s27+$0x0 ss:$0x81] =	vst.msk $0xffff, v62  }
0x95: {  	v63 =	vcombine.high v7, v6;
	[tilespmem:s30+$0x0 ss:$0x81] =	vst.msk $0xffff, v3  }
0x96: {  	[tilespmem:s28+$0x0 ss:$0x81] =	vst.msk $0xffff, v61  }
0x97: {  	[tilespmem:s28+$0x0 ss:$0x81] =	vst.msk $0xffff, v63  }
.LBB1_8:
.Ltmp9:
0x98: {  	(pc) =	sbr.rel @p1 .LBB1_11-.Ltmp9, $1  }
0x99: {  	_ =	sdelay $0x3  }
0x9a: {  	s0 =	sand.u32 $0x3E, s24;
	s3 =	sshll.u32 s26, $0x8  }
0x9b: {  	s4 =	sand.u32 $0x40, s24;
	s1 =	sadd.s32 s0, s23;
	s0 =	sand.u32 $0x1F80, s25  }
0x9c: {  	s3 =	sshrl.u32 s3, $0x2;
	s1 =	sadd.s32 s4, s1;
	s4 =	smov.u32 s21  }
.LBB1_10:
0x9d: {  	s5 =	sand.u32 $0x40, s4  }
0x9e: {  	s5 =	sadd.s32 s5, s22  }
0x9f: {  	s8 =	sand.u32 $0x20, s4;
	s25 =	sadd.s32 s0, s5  }
0xa0: {  	s5 =	sadd.s32 s3, s5;
	s25 =	sadd.s32 s8, s25  }
0xa1: {  	s5 =	sadd.s32 s8, s5;
	v0 =	vld [tilespmem:s25+$0x0]  }
0xa2: {  	v1 =	vld [tilespmem:s5+$0x10];
	_ =	sdelay $0x3  }
0xa3: {  	s31 =	sand.u32 $0x60, s4;
	s4 =	sadd.s32 $0x20, s4  }
0xa4: {  	p2 =	slt.s32 s4, s20;
	s5 =	smul.u32 $0x102, s31;
	v1 =	vperm.xlane.i2c.b16 v1;
	v0 =	vperm.xlane.i2c.b16 v0  }
.Ltmp10:
0xa5: {  	_ = 	snop;
	(pc) =	sbr.rel @p2 .LBB1_10-.Ltmp10, $4  }
0xa6: {  	s5 =	sshrl.u32 s5, $0x2;
	v2 =	vcombine.low v0, v1  }
0xa7: {  	s5 =	sadd.s32 s5, s1;
	v0 =	vcombine.high v0, v1  }
0xa8: {  	[tilespmem:s5+$0x0 ss:$0x81] =	vst.msk $0xffff, v2  }
0xa9: {  	[tilespmem:s5+$0x1 ss:$0x81] =	vst.msk $0xffff, v0  }
.Ltmp11:
0xaa: {  	_ = 	snop;
	(pc) =	sbr.rel .LBB1_11-.Ltmp11, $1  }
0xab: {  	_ =	sdelay $0x3  }
.LBB1_14:
0xac: {  	_ =	sfence.sel $0x180000  }
0xad: {  	s0 =	simm.s32 $0x1;
	[bflag:$0x0] =	sbarrier.arrive $0xFFFF  }
0xae: {  	s30 =	simm.s32 $0x2;
	[sflag:s0] =	ssyncpa.u1 $0x1  }
0xaf: {  	[sflag:s30] =	ssyncpa.u1 $0x1  }
0xb0: {  	_ =	strace $0x90000047  }
0xb1: {  	s31 =	stileid.u32;
	[bflag:$0x2] =	sbarrier.arrive $0xFFFF  }
0xb2: {  	p0 =	sne.s32 s31, $0x0;
	s0 =	rddreg [dreg:$0x1]  }
0xb3: {  	s0 =	sadd.s32 @!p0 $0x100000, s0  }
0xb4: {  	[sflag:s0] =	ssyncadd.tile.s32 @!p0 $0x1;
	_ =	shalt  }
.Lfunc_end1:
_tile_overlayer_lowered:
.L_overlay_start_2:
0xb5: {  	(tag) =	ssettag $0x2  }
0xb6: {  	s0 =	rddreg [dreg:$0x0];
	s2 =	stileid.u32  }
0xb7: {  	s1 =	rddreg [dreg:$0x1];
	p0 =	sne.s32 s2, $0x0  }
0xb8: {  	s3 =	rddreg [dreg:$0x2];
	[bflag:$0x3] =	sbarrier.arrive $0xFFFF;
	s2 =	simm.s32 @!p0 $0x1C01  }
0xb9: {  	[timem:s3], [sflag:s2] =	dma.local @!p0 [hbm:s0], s1  }
0xba: {  	s0 =	simm.s32 @!p0 $0x1  }
0xbb: {  	_ =	swait.ge @!p0 [sflag:s0], s1  }
0xbc: {  	s1 =	ssub.s32 @!p0 $0x0, s1;
	[sflag:s0] =	ssyncset.done @!p0 $0x0  }
0xbd: {  	[sflag:s0] =	ssyncadd.s32 @!p0 s1  }
0xbe: {  	[bflag:$0x3] =	sbarrier.arrive $0xFFFF  }
0xbf: {  	_ =	shalt  }

</sc_bundles>
